<compile_context>
chip_gen: v7x
topology: tpu7x:2x2x1
jax: 0.10.2.dev20260603
libtpu: 0.0.44.dev20260713+nightly
codegen_flags: <defaults>
</compile_context>

<pallas_src>
import functools

import jax
import jax.numpy as jnp
from jax import lax
from jax.experimental import pallas as pl
from jax.experimental.pallas import tpu as pltpu
from jax.experimental.pallas import tpu_sc as plsc

B = 8
C = 768
H = 32
W = 32
HALF = C // 2

_NC = 2
_NS = 16
_NW = _NC * _NS
_CPW = C // _NW
_WPH = HALF // _CPW


def _pos_kernel(row_hbm, col_hbm, out_hbm, tab_v, block_v, sem):
    wid = lax.axis_index("s") * _NC + lax.axis_index("c")
    is_col = wid < _WPH

    @pl.when(is_col)
    def _():
        pltpu.sync_copy(col_hbm.at[pl.ds(0, W)], tab_v)

    @pl.when(jnp.logical_not(is_col))
    def _():
        pltpu.sync_copy(row_hbm.at[pl.ds(0, H)], tab_v)

    c0 = wid * _CPW
    ct0 = jnp.where(is_col, c0, c0 - HALF)

    zeros16 = jnp.zeros((16,), jnp.int32)
    iota16 = lax.iota(jnp.int32, 16)

    def _col_ch(i, _):
        idxc = zeros16 + (ct0 + i)
        p0 = plsc.load_gather(tab_v, [iota16, idxc])
        p1 = plsc.load_gather(tab_v, [iota16 + 16, idxc])

        def _h(h, _):
            base = h * W
            block_v[i, pl.ds(base, 16)] = p0
            block_v[i, pl.ds(base + 16, 16)] = p1
            return 0

        lax.fori_loop(0, H, _h, 0)
        return 0

    def _row_ch(i, _):
        idxc = zeros16 + (ct0 + i)

        def _h(h, _):
            s = plsc.load_gather(tab_v, [zeros16 + h, idxc])
            base = h * W
            block_v[i, pl.ds(base, 16)] = s
            block_v[i, pl.ds(base + 16, 16)] = s
            return 0

        lax.fori_loop(0, H, _h, 0)
        return 0

    @pl.when(is_col)
    def _():
        lax.fori_loop(0, _CPW, _col_ch, 0)

    @pl.when(jnp.logical_not(is_col))
    def _():
        lax.fori_loop(0, _CPW, _row_ch, 0)

    copies = [
        pltpu.async_copy(block_v, out_hbm.at[b, pl.ds(c0, _CPW)], sem)
        for b in range(B)
    ]
    for cp in copies:
        cp.wait()


@jax.jit
def _pos_embed(row_emb, col_emb):
    run = functools.partial(
        pl.kernel,
        mesh=plsc.VectorSubcoreMesh(core_axis_name="c", subcore_axis_name="s"),
        out_type=jax.ShapeDtypeStruct((B, C, H * W), jnp.float32),
        scratch_types=[
            pltpu.VMEM((max(H, W), HALF), jnp.float32),
            pltpu.VMEM((_CPW, H * W), jnp.float32),
            pltpu.SemaphoreType.DMA,
        ],
        compiler_params=pltpu.CompilerParams(needs_layout_passes=False),
    )(_pos_kernel)
    return run(row_emb, col_emb)


def kernel(x, row_emb, col_emb):
    out = _pos_embed(row_emb, col_emb)
    return out.reshape(B, C, H, W)

# --- scband reference (transcript-rebuilt; emitter-appended) ---
"""Pipeline reference for scband-florence2-vision-learned-absolute-position-embedding2-d-61881888800862 (READ-ONLY COPY).

The authoritative reference and input builder live on the scoring server;
editing this copy changes nothing except your own understanding.
"""

import jax, jax.numpy as jnp
import numpy as np

EMBED_DIM = 768
NUM_POS = 50
D_COL = EMBED_DIM // 2
D_ROW = EMBED_DIM - EMBED_DIM // 2


def setup_inputs(seed: int = 0) -> dict:
    key = jax.random.key(seed)
    k1, k2, k3 = jax.random.split(key, 3)
    x = jax.random.normal(k1, (8, 768, 32, 32), dtype=jnp.float32)
    row_emb = jax.random.normal(k2, (NUM_POS, D_COL), dtype=jnp.float32) * 0.02
    col_emb = jax.random.normal(k3, (NUM_POS, D_ROW), dtype=jnp.float32) * 0.02
    return {"x": x, "row_emb": row_emb, "col_emb": col_emb}


def reference(x, row_emb, col_emb):
    B = x.shape[0]
    H, W = x.shape[-2], x.shape[-1]
    # embedding lookups (gather rows of the tables)
    x_emb = jnp.take(col_emb, jnp.arange(W), axis=0)  # (W, d_col)
    y_emb = jnp.take(row_emb, jnp.arange(H), axis=0)  # (H, d_row)
    pos = jnp.concatenate(
        [
            jnp.broadcast_to(x_emb[None, :, :], (H, W, x_emb.shape[-1])),
            jnp.broadcast_to(y_emb[:, None, :], (H, W, y_emb.shape[-1])),
        ],
        axis=-1,
    )  # (H, W, embed_dim)
    pos = jnp.transpose(pos, (2, 0, 1))[None]  # (1, embed_dim, H, W)
    return jnp.broadcast_to(pos, (B, pos.shape[1], H, W))

if __name__ == "__main__":
    import jax
    _d = setup_inputs()
    print(jax.jit(kernel)(*tuple(_d.values())))

</pallas_src>

<mosaic_0001>
#map = affine_map<(d0, d1) -> (0, 0)>
#map1 = affine_map<(d0, d1) -> (0, 0, 0)>
module attributes {stable_mosaic.version = 14 : i64} {
  func.func @_pos_kernel(%arg0: i32, %arg1: i32, %arg2: memref<50x384xf32, #tpu.memory_space<hbm>>, %arg3: memref<50x384xf32, #tpu.memory_space<hbm>>, %arg4: memref<8x768x1024xf32, #tpu.memory_space<hbm>>, %arg5: memref<32x384xf32, #tpu.memory_space<vmem>>, %arg6: memref<24x1024xf32, #tpu.memory_space<vmem>>, %arg7: memref<!tpu.dma_semaphore, #tpu.memory_space<semaphore_mem>>) attributes {dimension_semantics = [#tpu.dimension_semantics<core_parallel>, #tpu.dimension_semantics<subcore_parallel>], iteration_bounds = array<i64: 2, 16>, scalar_prefetch = 0 : i64, scratch_operands = 3 : i64, tpu.core_type = #tpu.core_type<sc_vector_subcore>, window_params = [{transform_indices = #map}, {transform_indices = #map}, {transform_indices = #map1}]} {
    %mul3A = arith.constant 2 : i32
    %mul3A_0 = arith.muli %arg1, %mul3A : i32
    %add3A = arith.addi %mul3A_0, %arg0 : i32
    %lt3A = arith.constant 16 : i32
    %lt3A_1 = arith.cmpi slt, %add3A, %lt3A : i32
    %convert_element_type3A = arith.extui %lt3A_1 : i1 to i32
    %cond3A = arith.constant 0 : i32
    %cond3A_2 = arith.cmpi ne, %convert_element_type3A, %cond3A : i32
    scf.if %cond3A_2 {
      "tpu.region"() ({
        %run_scoped3A = tpu.sem_alloc : memref<!tpu.dma_semaphore, #tpu.memory_space<semaphore_mem>>
        %dma_start3A_129 = arith.constant 0 : i32
        %dma_start3A_130 = arith.constant 0 : i32
        %dma_start3A_131 = tpu.memref_slice %arg3[%dma_start3A_129, %dma_start3A_130] : memref<50x384xf32, #tpu.memory_space<hbm>> -> memref<32x384xf32, #tpu.memory_space<hbm>>
        %dma_start3A_132 = arith.constant 0 : i32
        %dma_start3A_133 = arith.constant 0 : i32
        %dma_start3A_134 = tpu.memref_slice %arg3[%dma_start3A_132, %dma_start3A_133] : memref<50x384xf32, #tpu.memory_space<hbm>> -> memref<32x384xf32, #tpu.memory_space<hbm>>
        tpu.enqueue_dma source(%dma_start3A_134 : memref<32x384xf32, #tpu.memory_space<hbm>>) target(%arg5 : memref<32x384xf32, #tpu.memory_space<vmem>>) target_semaphore(%run_scoped3A : memref<!tpu.dma_semaphore, #tpu.memory_space<semaphore_mem>>)
        %dma_wait3A_135 = arith.constant 0 : i32
        %dma_wait3A_136 = arith.constant 0 : i32
        %dma_wait3A_137 = tpu.memref_slice %arg3[%dma_wait3A_135, %dma_wait3A_136] : memref<50x384xf32, #tpu.memory_space<hbm>> -> memref<32x384xf32, #tpu.memory_space<hbm>>
        %dma_wait3A_138 = arith.constant 0 : i32
        %dma_wait3A_139 = arith.constant 0 : i32
        %dma_wait3A_140 = tpu.memref_slice %arg3[%dma_wait3A_138, %dma_wait3A_139] : memref<50x384xf32, #tpu.memory_space<hbm>> -> memref<32x384xf32, #tpu.memory_space<hbm>>
        tpu.wait_dma2 semaphore(%run_scoped3A : memref<!tpu.dma_semaphore, #tpu.memory_space<semaphore_mem>>) src(%dma_wait3A_140 : memref<32x384xf32, #tpu.memory_space<hbm>>) dst(%arg5 : memref<32x384xf32, #tpu.memory_space<vmem>>)
        tpu.yield
      }) : () -> ()
    } else {
    }
    %not3A = arith.constant true
    %not3A_3 = arith.xori %lt3A_1, %not3A : i1
    %convert_element_type3A_4 = arith.extui %not3A_3 : i1 to i32
    %cond3A_5 = arith.constant 0 : i32
    %cond3A_6 = arith.cmpi ne, %convert_element_type3A_4, %cond3A_5 : i32
    scf.if %cond3A_6 {
      "tpu.region"() ({
        %run_scoped3A = tpu.sem_alloc : memref<!tpu.dma_semaphore, #tpu.memory_space<semaphore_mem>>
        %dma_start3A_129 = arith.constant 0 : i32
        %dma_start3A_130 = arith.constant 0 : i32
        %dma_start3A_131 = tpu.memref_slice %arg2[%dma_start3A_129, %dma_start3A_130] : memref<50x384xf32, #tpu.memory_space<hbm>> -> memref<32x384xf32, #tpu.memory_space<hbm>>
        %dma_start3A_132 = arith.constant 0 : i32
        %dma_start3A_133 = arith.constant 0 : i32
        %dma_start3A_134 = tpu.memref_slice %arg2[%dma_start3A_132, %dma_start3A_133] : memref<50x384xf32, #tpu.memory_space<hbm>> -> memref<32x384xf32, #tpu.memory_space<hbm>>
        tpu.enqueue_dma source(%dma_start3A_134 : memref<32x384xf32, #tpu.memory_space<hbm>>) target(%arg5 : memref<32x384xf32, #tpu.memory_space<vmem>>) target_semaphore(%run_scoped3A : memref<!tpu.dma_semaphore, #tpu.memory_space<semaphore_mem>>)
        %dma_wait3A_135 = arith.constant 0 : i32
        %dma_wait3A_136 = arith.constant 0 : i32
        %dma_wait3A_137 = tpu.memref_slice %arg2[%dma_wait3A_135, %dma_wait3A_136] : memref<50x384xf32, #tpu.memory_space<hbm>> -> memref<32x384xf32, #tpu.memory_space<hbm>>
        %dma_wait3A_138 = arith.constant 0 : i32
        %dma_wait3A_139 = arith.constant 0 : i32
        %dma_wait3A_140 = tpu.memref_slice %arg2[%dma_wait3A_138, %dma_wait3A_139] : memref<50x384xf32, #tpu.memory_space<hbm>> -> memref<32x384xf32, #tpu.memory_space<hbm>>
        tpu.wait_dma2 semaphore(%run_scoped3A : memref<!tpu.dma_semaphore, #tpu.memory_space<semaphore_mem>>) src(%dma_wait3A_140 : memref<32x384xf32, #tpu.memory_space<hbm>>) dst(%arg5 : memref<32x384xf32, #tpu.memory_space<vmem>>)
        tpu.yield
      }) : () -> ()
    } else {
    }
    %mul3A_7 = arith.constant 24 : i32
    %mul3A_8 = arith.muli %add3A, %mul3A_7 : i32
    %sub3A = arith.constant 384 : i32
    %sub3A_9 = arith.subi %mul3A_8, %sub3A : i32
    %select_n3A = arith.select %lt3A_1, %mul3A_8, %sub3A_9 : i32
    %broadcast_in_dim3A = arith.constant 0 : i32
    %broadcast_in_dim3A_10 = vector.broadcast %broadcast_in_dim3A : i32 to vector<16xi32>
    %iota3A = tpu.iota {dimensions = array<i32: 0>} : vector<16xi32>
    %convert_element_type3A_11 = arith.extui %lt3A_1 : i1 to i32
    %cond3A_12 = arith.constant 0 : i32
    %cond3A_13 = arith.cmpi ne, %convert_element_type3A_11, %cond3A_12 : i32
    scf.if %cond3A_13 {
      %scan3A = arith.constant 0 : i32
      %scan3A_129 = arith.constant 0 : i32
      %scan3A_130 = arith.constant 24 : i32
      %scan3A_131 = arith.addi %scan3A_129, %scan3A_130 : i32
      %scan3A_132 = arith.constant 1 : i32
      %scan3A_133 = scf.for %scan3A_135 = %scan3A_129 to %scan3A_131 step %scan3A_132 iter_args(%scan3A_136 = %scan3A) -> (i32)  : i32 {
        %add3A_137 = arith.addi %select_n3A, %scan3A_135 : i32
        %add3A_138 = vector.broadcast %add3A_137 : i32 to vector<16xi32>
        %add3A_139 = arith.addi %broadcast_in_dim3A_10, %add3A_138 : vector<16xi32>
        %gather3A = tpu.vector_load_idx %arg5[%iota3A, %add3A_139] : memref<32x384xf32, #tpu.memory_space<vmem>>[vector<16xi32>, vector<16xi32>], vector<16xf32>,
        %add3A_140 = arith.constant 16 : i32
        %add3A_141 = vector.broadcast %add3A_140 : i32 to vector<16xi32>
        %add3A_142 = arith.addi %iota3A, %add3A_141 : vector<16xi32>
        %gather3A_143 = tpu.vector_load_idx %arg5[%add3A_142, %add3A_139] : memref<32x384xf32, #tpu.memory_space<vmem>>[vector<16xi32>, vector<16xi32>], vector<16xf32>,
        %scan3A_144 = arith.constant 0 : i32
        %scan3A_145 = arith.constant 0 : i32
        %scan3A_146 = arith.constant 32 : i32
        %scan3A_147 = arith.addi %scan3A_145, %scan3A_146 : i32
        %scan3A_148 = arith.constant 1 : i32
        %scan3A_149 = scf.for %scan3A_152 = %scan3A_145 to %scan3A_147 step %scan3A_148 iter_args(%scan3A_153 = %scan3A_144) -> (i32)  : i32 {
          %mul3A_154 = arith.constant 32 : i32
          %mul3A_155 = arith.muli %scan3A_152, %mul3A_154 : i32
          %swap3A = arith.index_cast %scan3A_135 : i32 to index
          %swap3A_156 = arith.index_cast %mul3A_155 : i32 to index
          %swap3A_157 = tpu.vector_load %arg6[%swap3A, %swap3A_156] {strides = array<i32>} : memref<24x1024xf32, #tpu.memory_space<vmem>>, vector<16xf32>,
          tpu.vector_store %arg6[%swap3A, %swap3A_156], %gather3A {strides = array<i32>} : memref<24x1024xf32, #tpu.memory_space<vmem>>, vector<16xf32>,
          %add3A_158 = arith.constant 16 : i32
          %add3A_159 = arith.addi %mul3A_155, %add3A_158 : i32
          %swap3A_160 = arith.index_cast %scan3A_135 : i32 to index
          %swap3A_161 = arith.index_cast %add3A_159 : i32 to index
          %swap3A_162 = tpu.vector_load %arg6[%swap3A_160, %swap3A_161] {strides = array<i32>} : memref<24x1024xf32, #tpu.memory_space<vmem>>, vector<16xf32>,
          tpu.vector_store %arg6[%swap3A_160, %swap3A_161], %gather3A_143 {strides = array<i32>} : memref<24x1024xf32, #tpu.memory_space<vmem>>, vector<16xf32>,
          %scan3A_163 = arith.constant 0 : i32
          scf.yield %scan3A_163 : i32
        }
        %scan3A_150 = arith.constant 32 : i32
        %scan3A_151 = arith.constant 0 : i32
        scf.yield %scan3A_151 : i32
      }
      %scan3A_134 = arith.constant 24 : i32
    } else {
    }
    %not3A_14 = arith.constant true
    %not3A_15 = arith.xori %lt3A_1, %not3A_14 : i1
    %convert_element_type3A_16 = arith.extui %not3A_15 : i1 to i32
    %cond3A_17 = arith.constant 0 : i32
    %cond3A_18 = arith.cmpi ne, %convert_element_type3A_16, %cond3A_17 : i32
    scf.if %cond3A_18 {
      %scan3A = arith.constant 0 : i32
      %scan3A_129 = arith.constant 0 : i32
      %scan3A_130 = arith.constant 24 : i32
      %scan3A_131 = arith.addi %scan3A_129, %scan3A_130 : i32
      %scan3A_132 = arith.constant 1 : i32
      %scan3A_133 = scf.for %scan3A_135 = %scan3A_129 to %scan3A_131 step %scan3A_132 iter_args(%scan3A_136 = %scan3A) -> (i32)  : i32 {
        %add3A_137 = arith.addi %select_n3A, %scan3A_135 : i32
        %add3A_138 = vector.broadcast %add3A_137 : i32 to vector<16xi32>
        %add3A_139 = arith.addi %broadcast_in_dim3A_10, %add3A_138 : vector<16xi32>
        %scan3A_140 = arith.constant 0 : i32
        %scan3A_141 = arith.constant 0 : i32
        %scan3A_142 = arith.constant 32 : i32
        %scan3A_143 = arith.addi %scan3A_141, %scan3A_142 : i32
        %scan3A_144 = arith.constant 1 : i32
        %scan3A_145 = scf.for %scan3A_148 = %scan3A_141 to %scan3A_143 step %scan3A_144 iter_args(%scan3A_149 = %scan3A_140) -> (i32)  : i32 {
          %add3A_150 = vector.broadcast %scan3A_148 : i32 to vector<16xi32>
          %add3A_151 = arith.addi %broadcast_in_dim3A_10, %add3A_150 : vector<16xi32>
          %gather3A = tpu.vector_load_idx %arg5[%add3A_151, %add3A_139] : memref<32x384xf32, #tpu.memory_space<vmem>>[vector<16xi32>, vector<16xi32>], vector<16xf32>,
          %mul3A_152 = arith.constant 32 : i32
          %mul3A_153 = arith.muli %scan3A_148, %mul3A_152 : i32
          %swap3A = arith.index_cast %scan3A_135 : i32 to index
          %swap3A_154 = arith.index_cast %mul3A_153 : i32 to index
          %swap3A_155 = tpu.vector_load %arg6[%swap3A, %swap3A_154] {strides = array<i32>} : memref<24x1024xf32, #tpu.memory_space<vmem>>, vector<16xf32>,
          tpu.vector_store %arg6[%swap3A, %swap3A_154], %gather3A {strides = array<i32>} : memref<24x1024xf32, #tpu.memory_space<vmem>>, vector<16xf32>,
          %add3A_156 = arith.constant 16 : i32
          %add3A_157 = arith.addi %mul3A_153, %add3A_156 : i32
          %swap3A_158 = arith.index_cast %scan3A_135 : i32 to index
          %swap3A_159 = arith.index_cast %add3A_157 : i32 to index
          %swap3A_160 = tpu.vector_load %arg6[%swap3A_158, %swap3A_159] {strides = array<i32>} : memref<24x1024xf32, #tpu.memory_space<vmem>>, vector<16xf32>,
          tpu.vector_store %arg6[%swap3A_158, %swap3A_159], %gather3A {strides = array<i32>} : memref<24x1024xf32, #tpu.memory_space<vmem>>, vector<16xf32>,
          %scan3A_161 = arith.constant 0 : i32
          scf.yield %scan3A_161 : i32
        }
        %scan3A_146 = arith.constant 32 : i32
        %scan3A_147 = arith.constant 0 : i32
        scf.yield %scan3A_147 : i32
      }
      %scan3A_134 = arith.constant 24 : i32
    } else {
    }
    %dma_start3A = arith.constant 0 : i32
    %dma_start3A_19 = arith.constant 0 : i32
    %dma_start3A_20 = tpu.memref_slice %arg4[%dma_start3A, %mul3A_8, %dma_start3A_19] : memref<8x768x1024xf32, #tpu.memory_space<hbm>> -> memref<1x24x1024xf32, #tpu.memory_space<hbm>>
    %dma_start3A_21 = tpu.memref_squeeze %dma_start3A_20 : memref<1x24x1024xf32, #tpu.memory_space<hbm>> -> memref<24x1024xf32, #tpu.memory_space<hbm>>
    %dma_start3A_22 = arith.constant 0 : i32
    %dma_start3A_23 = tpu.memref_slice %arg4[%dma_start3A, %mul3A_8, %dma_start3A_22] : memref<8x768x1024xf32, #tpu.memory_space<hbm>> -> memref<1x24x1024xf32, #tpu.memory_space<hbm>>
    %dma_start3A_24 = tpu.memref_squeeze %dma_start3A_23 : memref<1x24x1024xf32, #tpu.memory_space<hbm>> -> memref<24x1024xf32, #tpu.memory_space<hbm>>
    tpu.enqueue_dma source(%arg6 : memref<24x1024xf32, #tpu.memory_space<vmem>>) target(%dma_start3A_24 : memref<24x1024xf32, #tpu.memory_space<hbm>>) target_semaphore(%arg7 : memref<!tpu.dma_semaphore, #tpu.memory_space<semaphore_mem>>)
    %dma_start3A_25 = arith.constant 1 : i32
    %dma_start3A_26 = arith.constant 0 : i32
    %dma_start3A_27 = tpu.memref_slice %arg4[%dma_start3A_25, %mul3A_8, %dma_start3A_26] : memref<8x768x1024xf32, #tpu.memory_space<hbm>> -> memref<1x24x1024xf32, #tpu.memory_space<hbm>>
    %dma_start3A_28 = tpu.memref_squeeze %dma_start3A_27 : memref<1x24x1024xf32, #tpu.memory_space<hbm>> -> memref<24x1024xf32, #tpu.memory_space<hbm>>
    %dma_start3A_29 = arith.constant 0 : i32
    %dma_start3A_30 = tpu.memref_slice %arg4[%dma_start3A_25, %mul3A_8, %dma_start3A_29] : memref<8x768x1024xf32, #tpu.memory_space<hbm>> -> memref<1x24x1024xf32, #tpu.memory_space<hbm>>
    %dma_start3A_31 = tpu.memref_squeeze %dma_start3A_30 : memref<1x24x1024xf32, #tpu.memory_space<hbm>> -> memref<24x1024xf32, #tpu.memory_space<hbm>>
    tpu.enqueue_dma source(%arg6 : memref<24x1024xf32, #tpu.memory_space<vmem>>) target(%dma_start3A_31 : memref<24x1024xf32, #tpu.memory_space<hbm>>) target_semaphore(%arg7 : memref<!tpu.dma_semaphore, #tpu.memory_space<semaphore_mem>>)
    %dma_start3A_32 = arith.constant 2 : i32
    %dma_start3A_33 = arith.constant 0 : i32
    %dma_start3A_34 = tpu.memref_slice %arg4[%dma_start3A_32, %mul3A_8, %dma_start3A_33] : memref<8x768x1024xf32, #tpu.memory_space<hbm>> -> memref<1x24x1024xf32, #tpu.memory_space<hbm>>
    %dma_start3A_35 = tpu.memref_squeeze %dma_start3A_34 : memref<1x24x1024xf32, #tpu.memory_space<hbm>> -> memref<24x1024xf32, #tpu.memory_space<hbm>>
    %dma_start3A_36 = arith.constant 0 : i32
    %dma_start3A_37 = tpu.memref_slice %arg4[%dma_start3A_32, %mul3A_8, %dma_start3A_36] : memref<8x768x1024xf32, #tpu.memory_space<hbm>> -> memref<1x24x1024xf32, #tpu.memory_space<hbm>>
    %dma_start3A_38 = tpu.memref_squeeze %dma_start3A_37 : memref<1x24x1024xf32, #tpu.memory_space<hbm>> -> memref<24x1024xf32, #tpu.memory_space<hbm>>
    tpu.enqueue_dma source(%arg6 : memref<24x1024xf32, #tpu.memory_space<vmem>>) target(%dma_start3A_38 : memref<24x1024xf32, #tpu.memory_space<hbm>>) target_semaphore(%arg7 : memref<!tpu.dma_semaphore, #tpu.memory_space<semaphore_mem>>)
    %dma_start3A_39 = arith.constant 3 : i32
    %dma_start3A_40 = arith.constant 0 : i32
    %dma_start3A_41 = tpu.memref_slice %arg4[%dma_start3A_39, %mul3A_8, %dma_start3A_40] : memref<8x768x1024xf32, #tpu.memory_space<hbm>> -> memref<1x24x1024xf32, #tpu.memory_space<hbm>>
    %dma_start3A_42 = tpu.memref_squeeze %dma_start3A_41 : memref<1x24x1024xf32, #tpu.memory_space<hbm>> -> memref<24x1024xf32, #tpu.memory_space<hbm>>
    %dma_start3A_43 = arith.constant 0 : i32
    %dma_start3A_44 = tpu.memref_slice %arg4[%dma_start3A_39, %mul3A_8, %dma_start3A_43] : memref<8x768x1024xf32, #tpu.memory_space<hbm>> -> memref<1x24x1024xf32, #tpu.memory_space<hbm>>
    %dma_start3A_45 = tpu.memref_squeeze %dma_start3A_44 : memref<1x24x1024xf32, #tpu.memory_space<hbm>> -> memref<24x1024xf32, #tpu.memory_space<hbm>>
    tpu.enqueue_dma source(%arg6 : memref<24x1024xf32, #tpu.memory_space<vmem>>) target(%dma_start3A_45 : memref<24x1024xf32, #tpu.memory_space<hbm>>) target_semaphore(%arg7 : memref<!tpu.dma_semaphore, #tpu.memory_space<semaphore_mem>>)
    %dma_start3A_46 = arith.constant 4 : i32
    %dma_start3A_47 = arith.constant 0 : i32
    %dma_start3A_48 = tpu.memref_slice %arg4[%dma_start3A_46, %mul3A_8, %dma_start3A_47] : memref<8x768x1024xf32, #tpu.memory_space<hbm>> -> memref<1x24x1024xf32, #tpu.memory_space<hbm>>
    %dma_start3A_49 = tpu.memref_squeeze %dma_start3A_48 : memref<1x24x1024xf32, #tpu.memory_space<hbm>> -> memref<24x1024xf32, #tpu.memory_space<hbm>>
    %dma_start3A_50 = arith.constant 0 : i32
    %dma_start3A_51 = tpu.memref_slice %arg4[%dma_start3A_46, %mul3A_8, %dma_start3A_50] : memref<8x768x1024xf32, #tpu.memory_space<hbm>> -> memref<1x24x1024xf32, #tpu.memory_space<hbm>>
    %dma_start3A_52 = tpu.memref_squeeze %dma_start3A_51 : memref<1x24x1024xf32, #tpu.memory_space<hbm>> -> memref<24x1024xf32, #tpu.memory_space<hbm>>
    tpu.enqueue_dma source(%arg6 : memref<24x1024xf32, #tpu.memory_space<vmem>>) target(%dma_start3A_52 : memref<24x1024xf32, #tpu.memory_space<hbm>>) target_semaphore(%arg7 : memref<!tpu.dma_semaphore, #tpu.memory_space<semaphore_mem>>)
    %dma_start3A_53 = arith.constant 5 : i32
    %dma_start3A_54 = arith.constant 0 : i32
    %dma_start3A_55 = tpu.memref_slice %arg4[%dma_start3A_53, %mul3A_8, %dma_start3A_54] : memref<8x768x1024xf32, #tpu.memory_space<hbm>> -> memref<1x24x1024xf32, #tpu.memory_space<hbm>>
    %dma_start3A_56 = tpu.memref_squeeze %dma_start3A_55 : memref<1x24x1024xf32, #tpu.memory_space<hbm>> -> memref<24x1024xf32, #tpu.memory_space<hbm>>
    %dma_start3A_57 = arith.constant 0 : i32
    %dma_start3A_58 = tpu.memref_slice %arg4[%dma_start3A_53, %mul3A_8, %dma_start3A_57] : memref<8x768x1024xf32, #tpu.memory_space<hbm>> -> memref<1x24x1024xf32, #tpu.memory_space<hbm>>
    %dma_start3A_59 = tpu.memref_squeeze %dma_start3A_58 : memref<1x24x1024xf32, #tpu.memory_space<hbm>> -> memref<24x1024xf32, #tpu.memory_space<hbm>>
    tpu.enqueue_dma source(%arg6 : memref<24x1024xf32, #tpu.memory_space<vmem>>) target(%dma_start3A_59 : memref<24x1024xf32, #tpu.memory_space<hbm>>) target_semaphore(%arg7 : memref<!tpu.dma_semaphore, #tpu.memory_space<semaphore_mem>>)
    %dma_start3A_60 = arith.constant 6 : i32
    %dma_start3A_61 = arith.constant 0 : i32
    %dma_start3A_62 = tpu.memref_slice %arg4[%dma_start3A_60, %mul3A_8, %dma_start3A_61] : memref<8x768x1024xf32, #tpu.memory_space<hbm>> -> memref<1x24x1024xf32, #tpu.memory_space<hbm>>
    %dma_start3A_63 = tpu.memref_squeeze %dma_start3A_62 : memref<1x24x1024xf32, #tpu.memory_space<hbm>> -> memref<24x1024xf32, #tpu.memory_space<hbm>>
    %dma_start3A_64 = arith.constant 0 : i32
    %dma_start3A_65 = tpu.memref_slice %arg4[%dma_start3A_60, %mul3A_8, %dma_start3A_64] : memref<8x768x1024xf32, #tpu.memory_space<hbm>> -> memref<1x24x1024xf32, #tpu.memory_space<hbm>>
    %dma_start3A_66 = tpu.memref_squeeze %dma_start3A_65 : memref<1x24x1024xf32, #tpu.memory_space<hbm>> -> memref<24x1024xf32, #tpu.memory_space<hbm>>
    tpu.enqueue_dma source(%arg6 : memref<24x1024xf32, #tpu.memory_space<vmem>>) target(%dma_start3A_66 : memref<24x1024xf32, #tpu.memory_space<hbm>>) target_semaphore(%arg7 : memref<!tpu.dma_semaphore, #tpu.memory_space<semaphore_mem>>)
    %dma_start3A_67 = arith.constant 7 : i32
    %dma_start3A_68 = arith.constant 0 : i32
    %dma_start3A_69 = tpu.memref_slice %arg4[%dma_start3A_67, %mul3A_8, %dma_start3A_68] : memref<8x768x1024xf32, #tpu.memory_space<hbm>> -> memref<1x24x1024xf32, #tpu.memory_space<hbm>>
    %dma_start3A_70 = tpu.memref_squeeze %dma_start3A_69 : memref<1x24x1024xf32, #tpu.memory_space<hbm>> -> memref<24x1024xf32, #tpu.memory_space<hbm>>
    %dma_start3A_71 = arith.constant 0 : i32
    %dma_start3A_72 = tpu.memref_slice %arg4[%dma_start3A_67, %mul3A_8, %dma_start3A_71] : memref<8x768x1024xf32, #tpu.memory_space<hbm>> -> memref<1x24x1024xf32, #tpu.memory_space<hbm>>
    %dma_start3A_73 = tpu.memref_squeeze %dma_start3A_72 : memref<1x24x1024xf32, #tpu.memory_space<hbm>> -> memref<24x1024xf32, #tpu.memory_space<hbm>>
    tpu.enqueue_dma source(%arg6 : memref<24x1024xf32, #tpu.memory_space<vmem>>) target(%dma_start3A_73 : memref<24x1024xf32, #tpu.memory_space<hbm>>) target_semaphore(%arg7 : memref<!tpu.dma_semaphore, #tpu.memory_space<semaphore_mem>>)
    %dma_wait3A = arith.constant 0 : i32
    %dma_wait3A_74 = arith.constant 0 : i32
    %dma_wait3A_75 = tpu.memref_slice %arg4[%dma_wait3A, %mul3A_8, %dma_wait3A_74] : memref<8x768x1024xf32, #tpu.memory_space<hbm>> -> memref<1x24x1024xf32, #tpu.memory_space<hbm>>
    %dma_wait3A_76 = tpu.memref_squeeze %dma_wait3A_75 : memref<1x24x1024xf32, #tpu.memory_space<hbm>> -> memref<24x1024xf32, #tpu.memory_space<hbm>>
    %dma_wait3A_77 = arith.constant 0 : i32
    %dma_wait3A_78 = tpu.memref_slice %arg4[%dma_wait3A, %mul3A_8, %dma_wait3A_77] : memref<8x768x1024xf32, #tpu.memory_space<hbm>> -> memref<1x24x1024xf32, #tpu.memory_space<hbm>>
    %dma_wait3A_79 = tpu.memref_squeeze %dma_wait3A_78 : memref<1x24x1024xf32, #tpu.memory_space<hbm>> -> memref<24x1024xf32, #tpu.memory_space<hbm>>
    tpu.wait_dma2 semaphore(%arg7 : memref<!tpu.dma_semaphore, #tpu.memory_space<semaphore_mem>>) src(%arg6 : memref<24x1024xf32, #tpu.memory_space<vmem>>) dst(%dma_wait3A_79 : memref<24x1024xf32, #tpu.memory_space<hbm>>)
    %dma_wait3A_80 = arith.constant 1 : i32
    %dma_wait3A_81 = arith.constant 0 : i32
    %dma_wait3A_82 = tpu.memref_slice %arg4[%dma_wait3A_80, %mul3A_8, %dma_wait3A_81] : memref<8x768x1024xf32, #tpu.memory_space<hbm>> -> memref<1x24x1024xf32, #tpu.memory_space<hbm>>
    %dma_wait3A_83 = tpu.memref_squeeze %dma_wait3A_82 : memref<1x24x1024xf32, #tpu.memory_space<hbm>> -> memref<24x1024xf32, #tpu.memory_space<hbm>>
    %dma_wait3A_84 = arith.constant 0 : i32
    %dma_wait3A_85 = tpu.memref_slice %arg4[%dma_wait3A_80, %mul3A_8, %dma_wait3A_84] : memref<8x768x1024xf32, #tpu.memory_space<hbm>> -> memref<1x24x1024xf32, #tpu.memory_space<hbm>>
    %dma_wait3A_86 = tpu.memref_squeeze %dma_wait3A_85 : memref<1x24x1024xf32, #tpu.memory_space<hbm>> -> memref<24x1024xf32, #tpu.memory_space<hbm>>
    tpu.wait_dma2 semaphore(%arg7 : memref<!tpu.dma_semaphore, #tpu.memory_space<semaphore_mem>>) src(%arg6 : memref<24x1024xf32, #tpu.memory_space<vmem>>) dst(%dma_wait3A_86 : memref<24x1024xf32, #tpu.memory_space<hbm>>)
    %dma_wait3A_87 = arith.constant 2 : i32
    %dma_wait3A_88 = arith.constant 0 : i32
    %dma_wait3A_89 = tpu.memref_slice %arg4[%dma_wait3A_87, %mul3A_8, %dma_wait3A_88] : memref<8x768x1024xf32, #tpu.memory_space<hbm>> -> memref<1x24x1024xf32, #tpu.memory_space<hbm>>
    %dma_wait3A_90 = tpu.memref_squeeze %dma_wait3A_89 : memref<1x24x1024xf32, #tpu.memory_space<hbm>> -> memref<24x1024xf32, #tpu.memory_space<hbm>>
    %dma_wait3A_91 = arith.constant 0 : i32
    %dma_wait3A_92 = tpu.memref_slice %arg4[%dma_wait3A_87, %mul3A_8, %dma_wait3A_91] : memref<8x768x1024xf32, #tpu.memory_space<hbm>> -> memref<1x24x1024xf32, #tpu.memory_space<hbm>>
    %dma_wait3A_93 = tpu.memref_squeeze %dma_wait3A_92 : memref<1x24x1024xf32, #tpu.memory_space<hbm>> -> memref<24x1024xf32, #tpu.memory_space<hbm>>
    tpu.wait_dma2 semaphore(%arg7 : memref<!tpu.dma_semaphore, #tpu.memory_space<semaphore_mem>>) src(%arg6 : memref<24x1024xf32, #tpu.memory_space<vmem>>) dst(%dma_wait3A_93 : memref<24x1024xf32, #tpu.memory_space<hbm>>)
    %dma_wait3A_94 = arith.constant 3 : i32
    %dma_wait3A_95 = arith.constant 0 : i32
    %dma_wait3A_96 = tpu.memref_slice %arg4[%dma_wait3A_94, %mul3A_8, %dma_wait3A_95] : memref<8x768x1024xf32, #tpu.memory_space<hbm>> -> memref<1x24x1024xf32, #tpu.memory_space<hbm>>
    %dma_wait3A_97 = tpu.memref_squeeze %dma_wait3A_96 : memref<1x24x1024xf32, #tpu.memory_space<hbm>> -> memref<24x1024xf32, #tpu.memory_space<hbm>>
    %dma_wait3A_98 = arith.constant 0 : i32
    %dma_wait3A_99 = tpu.memref_slice %arg4[%dma_wait3A_94, %mul3A_8, %dma_wait3A_98] : memref<8x768x1024xf32, #tpu.memory_space<hbm>> -> memref<1x24x1024xf32, #tpu.memory_space<hbm>>
    %dma_wait3A_100 = tpu.memref_squeeze %dma_wait3A_99 : memref<1x24x1024xf32, #tpu.memory_space<hbm>> -> memref<24x1024xf32, #tpu.memory_space<hbm>>
    tpu.wait_dma2 semaphore(%arg7 : memref<!tpu.dma_semaphore, #tpu.memory_space<semaphore_mem>>) src(%arg6 : memref<24x1024xf32, #tpu.memory_space<vmem>>) dst(%dma_wait3A_100 : memref<24x1024xf32, #tpu.memory_space<hbm>>)
    %dma_wait3A_101 = arith.constant 4 : i32
    %dma_wait3A_102 = arith.constant 0 : i32
    %dma_wait3A_103 = tpu.memref_slice %arg4[%dma_wait3A_101, %mul3A_8, %dma_wait3A_102] : memref<8x768x1024xf32, #tpu.memory_space<hbm>> -> memref<1x24x1024xf32, #tpu.memory_space<hbm>>
    %dma_wait3A_104 = tpu.memref_squeeze %dma_wait3A_103 : memref<1x24x1024xf32, #tpu.memory_space<hbm>> -> memref<24x1024xf32, #tpu.memory_space<hbm>>
    %dma_wait3A_105 = arith.constant 0 : i32
    %dma_wait3A_106 = tpu.memref_slice %arg4[%dma_wait3A_101, %mul3A_8, %dma_wait3A_105] : memref<8x768x1024xf32, #tpu.memory_space<hbm>> -> memref<1x24x1024xf32, #tpu.memory_space<hbm>>
    %dma_wait3A_107 = tpu.memref_squeeze %dma_wait3A_106 : memref<1x24x1024xf32, #tpu.memory_space<hbm>> -> memref<24x1024xf32, #tpu.memory_space<hbm>>
    tpu.wait_dma2 semaphore(%arg7 : memref<!tpu.dma_semaphore, #tpu.memory_space<semaphore_mem>>) src(%arg6 : memref<24x1024xf32, #tpu.memory_space<vmem>>) dst(%dma_wait3A_107 : memref<24x1024xf32, #tpu.memory_space<hbm>>)
    %dma_wait3A_108 = arith.constant 5 : i32
    %dma_wait3A_109 = arith.constant 0 : i32
    %dma_wait3A_110 = tpu.memref_slice %arg4[%dma_wait3A_108, %mul3A_8, %dma_wait3A_109] : memref<8x768x1024xf32, #tpu.memory_space<hbm>> -> memref<1x24x1024xf32, #tpu.memory_space<hbm>>
    %dma_wait3A_111 = tpu.memref_squeeze %dma_wait3A_110 : memref<1x24x1024xf32, #tpu.memory_space<hbm>> -> memref<24x1024xf32, #tpu.memory_space<hbm>>
    %dma_wait3A_112 = arith.constant 0 : i32
    %dma_wait3A_113 = tpu.memref_slice %arg4[%dma_wait3A_108, %mul3A_8, %dma_wait3A_112] : memref<8x768x1024xf32, #tpu.memory_space<hbm>> -> memref<1x24x1024xf32, #tpu.memory_space<hbm>>
    %dma_wait3A_114 = tpu.memref_squeeze %dma_wait3A_113 : memref<1x24x1024xf32, #tpu.memory_space<hbm>> -> memref<24x1024xf32, #tpu.memory_space<hbm>>
    tpu.wait_dma2 semaphore(%arg7 : memref<!tpu.dma_semaphore, #tpu.memory_space<semaphore_mem>>) src(%arg6 : memref<24x1024xf32, #tpu.memory_space<vmem>>) dst(%dma_wait3A_114 : memref<24x1024xf32, #tpu.memory_space<hbm>>)
    %dma_wait3A_115 = arith.constant 6 : i32
    %dma_wait3A_116 = arith.constant 0 : i32
    %dma_wait3A_117 = tpu.memref_slice %arg4[%dma_wait3A_115, %mul3A_8, %dma_wait3A_116] : memref<8x768x1024xf32, #tpu.memory_space<hbm>> -> memref<1x24x1024xf32, #tpu.memory_space<hbm>>
    %dma_wait3A_118 = tpu.memref_squeeze %dma_wait3A_117 : memref<1x24x1024xf32, #tpu.memory_space<hbm>> -> memref<24x1024xf32, #tpu.memory_space<hbm>>
    %dma_wait3A_119 = arith.constant 0 : i32
    %dma_wait3A_120 = tpu.memref_slice %arg4[%dma_wait3A_115, %mul3A_8, %dma_wait3A_119] : memref<8x768x1024xf32, #tpu.memory_space<hbm>> -> memref<1x24x1024xf32, #tpu.memory_space<hbm>>
    %dma_wait3A_121 = tpu.memref_squeeze %dma_wait3A_120 : memref<1x24x1024xf32, #tpu.memory_space<hbm>> -> memref<24x1024xf32, #tpu.memory_space<hbm>>
    tpu.wait_dma2 semaphore(%arg7 : memref<!tpu.dma_semaphore, #tpu.memory_space<semaphore_mem>>) src(%arg6 : memref<24x1024xf32, #tpu.memory_space<vmem>>) dst(%dma_wait3A_121 : memref<24x1024xf32, #tpu.memory_space<hbm>>)
    %dma_wait3A_122 = arith.constant 7 : i32
    %dma_wait3A_123 = arith.constant 0 : i32
    %dma_wait3A_124 = tpu.memref_slice %arg4[%dma_wait3A_122, %mul3A_8, %dma_wait3A_123] : memref<8x768x1024xf32, #tpu.memory_space<hbm>> -> memref<1x24x1024xf32, #tpu.memory_space<hbm>>
    %dma_wait3A_125 = tpu.memref_squeeze %dma_wait3A_124 : memref<1x24x1024xf32, #tpu.memory_space<hbm>> -> memref<24x1024xf32, #tpu.memory_space<hbm>>
    %dma_wait3A_126 = arith.constant 0 : i32
    %dma_wait3A_127 = tpu.memref_slice %arg4[%dma_wait3A_122, %mul3A_8, %dma_wait3A_126] : memref<8x768x1024xf32, #tpu.memory_space<hbm>> -> memref<1x24x1024xf32, #tpu.memory_space<hbm>>
    %dma_wait3A_128 = tpu.memref_squeeze %dma_wait3A_127 : memref<1x24x1024xf32, #tpu.memory_space<hbm>> -> memref<24x1024xf32, #tpu.memory_space<hbm>>
    tpu.wait_dma2 semaphore(%arg7 : memref<!tpu.dma_semaphore, #tpu.memory_space<semaphore_mem>>) src(%arg6 : memref<24x1024xf32, #tpu.memory_space<vmem>>) dst(%dma_wait3A_128 : memref<24x1024xf32, #tpu.memory_space<hbm>>)
    return
  }
}

</mosaic_0001>

<sc_bundles>
// kernel: _pos_embed.3.cloned.1.call-start
scs
__scs_entry_jumppad:
0x0: {  	(pc) =	sbr.rel $0x88, $3  }
0x1: {  	(tag) =	ssettag $0x0;
	lr =	simm.s32 $0x1  }
0x2: {  	[smem:$0x3F9F] =	sst lr;
	_ =	strace $0xD0000000  }
0x3: {  	_ = 	snop  }
0x4: {  	_ = 	snop  }
0x5: {  	_ = 	snop  }
0x6: {  	_ = 	snop  }
0x7: {  	_ = 	snop  }
__scs_overlays_trampoline_lowered:
0x8: {  	[smem:$0x3FAE] =	sst s0  }
0x9: {  	[smem:$0x3FAF] =	sst s1  }
0xa: {  	[smem:$0x3FB0] =	sst s2  }
0xb: {  	[smem:$0x3FB1] =	sst s3  }
0xc: {  	[smem:$0x3FB2] =	sst s4  }
0xd: {  	[smem:$0x3FB3] =	sst s5  }
0xe: {  	[smem:$0x3FB4] =	sst s6  }
0xf: {  	[smem:$0x3FB5] =	sst s7  }
0x10: {  	[smem:$0x3FB6] =	sst s8  }
0x11: {  	[smem:$0x3FB7] =	sst s9;
	s0 =	simm.s32 @!p0 $0x0  }
0x12: {  	s1 =	sld [smem:$0x3F9D];
	s0 =	simm.s32 @p0 $0x1  }
0x13: {  	[smem:$0x3FB8] =	sst s0;
	s0 =	simm.s32 @!p1 $0x0  }
0x14: {  	s2 =	sld [smem:$0x3F9C];
	s0 =	simm.s32 @p1 $0x1  }
0x15: {  	[smem:$0x3FB9] =	sst s0;
	s0 =	simm.s32 @!p2 $0x0  }
0x16: {  	s3 =	sld [smem:$0x3FDB];
	s0 =	simm.s32 @p2 $0x1  }
0x17: {  	s4 =	simm.s32 $0x1BF5;
	[smem:$0x3FBB] =	sst s0  }
0x18: {  	s0 =	sld [smem:$0x3F9E];
	_ =	swait.ge [sflag:s4], $0x0  }
0x19: {  	s7 =	sld [smem:$0x3F9F]  }
0x1a: {  	s8 =	sadd.s32 $0xFFFFE003, lr  }
0x1b: {  	s9 =	sadd.s32 $0xFFFFFEF7, lr;
	s5 =	simm.s32 $0xFFFFFFFF;
	p2 =	slt.u32 s8, $0xFFFFF086  }
0x1c: {  	p1 =	slt.u32 s9, $0xF7A;
	s5 =	simm.s32 @!p2 $0x0  }
0x1d: {  	s5 =	simm.s32 @p1 $0x1;
	p0 =	seq.s32 s7, s2  }
0x1e: {  	s7 =	smul.u32 @!p0 $0xF7A, s2;
	p2 =	seq.s32 @!p0 s5, $0x0  }
0x1f: {  	s9 =	smul.u32 $0xF7A, s1;
	s8 =	simm.s32 @!p0 $0x1BF5;
	p2 =	por !p2, p0  }
0x20: {  	[sflag:s8] =	ssyncset.s32 @!p0 $0xFFFFF086;
	s6 =	sadd.s32 @!p0 s3, s7;
	s7 =	simm.s32 @!p0 $0x108  }
0x21: {  	s3 =	sadd.s32 s3, s9;
	s6 =	sadd.s32 @!p0 $0x88, s6;
	s7 =	simm.s32 @p2 $0x1082  }
0x22: {  	[simem:s7], [sflag:s8] =	dma.local @!p0 [hbm:s6], $0xF7A  }
0x23: {  	s9 =	sor.u32 $0xD0000000, s2;
	s6 =	simm.s32 $0x108;
	_ =	swait.ge @!p0 [sflag:s8], $0x0  }
0x24: {  	s3 =	sadd.s32 $0x88, s3;
	s6 =	simm.s32 @!p1 $0x1082;
	[sflag:s4] =	ssyncset.s32 $0xFFFFF086  }
0x25: {  	[simem:s6], [sflag:s4] =	dma.local [hbm:s3], $0xF7A  }
0x26: {  	[smem:$0x3F9F] =	sst s1;
	(tag) =	ssettag s2;
	_ =	strace s9  }
0x27: {  	s1 =	sld [smem:$0x3FAF]  }
0x28: {  	s2 =	sld [smem:$0x3FB0]  }
0x29: {  	s4 =	sld [smem:$0x3FB2]  }
0x2a: {  	p0 =	seq.s32 s5, $0x0;
	s5 =	sld [smem:$0x3FB3]  }
0x2b: {  	s6 =	sld [smem:$0x3FB4]  }
0x2c: {  	s7 =	sld [smem:$0x3FB5]  }
0x2d: {  	s3 =	simm.s32 $0x108;
	s8 =	sld [smem:$0x3FB6]  }
0x2e: {  	s3 =	simm.s32 @!p0 $0x1082;
	s9 =	sld [smem:$0x3FB7]  }
0x2f: {  	lr =	sadd.s32 s0, s3;
	s0 =	sld [smem:$0x3FAE]  }
0x30: {  	s3 =	sld [smem:$0x3FB1]  }
0x31: {  	[smem:$0x3FBA] =	sst s10  }
0x32: {  	s10 =	sld [smem:$0x3FB8];
	_ =	sdelay $0x3  }
0x33: {  	p0 =	seq.s32 s10, $0x1;
	s10 =	sld [smem:$0x3FBA];
	_ =	sdelay $0x3  }
0x34: {  	[smem:$0x3FBA] =	sst s10  }
0x35: {  	s10 =	sld [smem:$0x3FB9];
	_ =	sdelay $0x3  }
0x36: {  	p1 =	seq.s32 s10, $0x1;
	s10 =	sld [smem:$0x3FBA];
	_ =	sdelay $0x3  }
0x37: {  	[smem:$0x3FBA] =	sst s10  }
0x38: {  	s10 =	sld [smem:$0x3FBB]  }
0x39: {  	_ = 	snop;
	(pc) =	sbr.ind lr, $3  }
0x3a: {  	_ = 	snop  }
0x3b: {  	_ = 	snop  }
0x3c: {  	p2 =	seq.s32 s10, $0x1;
	s10 =	sld [smem:$0x3FBA]  }
0x3d: {  	_ =	shalt  }
0x3e: {  	_ =	shalt  }
0x3f: {  	_ =	shalt  }
0x40: {  	_ =	shalt  }
0x41: {  	_ =	shalt  }
0x42: {  	_ =	shalt  }
0x43: {  	_ =	shalt  }
0x44: {  	_ =	shalt  }
0x45: {  	_ =	shalt  }
0x46: {  	_ =	shalt  }
0x47: {  	_ =	shalt  }
0x48: {  	_ =	shalt  }
0x49: {  	_ =	shalt  }
0x4a: {  	_ =	shalt  }
0x4b: {  	_ =	shalt  }
0x4c: {  	_ =	shalt  }
0x4d: {  	_ =	shalt  }
0x4e: {  	_ =	shalt  }
0x4f: {  	_ =	shalt  }
0x50: {  	_ =	shalt  }
0x51: {  	_ =	shalt  }
0x52: {  	_ =	shalt  }
0x53: {  	_ =	shalt  }
0x54: {  	_ =	shalt  }
0x55: {  	_ =	shalt  }
0x56: {  	_ =	shalt  }
0x57: {  	_ =	shalt  }
0x58: {  	_ =	shalt  }
0x59: {  	_ =	shalt  }
0x5a: {  	_ =	shalt  }
0x5b: {  	_ =	shalt  }
0x5c: {  	_ =	shalt  }
0x5d: {  	_ =	shalt  }
0x5e: {  	_ =	shalt  }
0x5f: {  	_ =	shalt  }
0x60: {  	_ =	shalt  }
0x61: {  	_ =	shalt  }
0x62: {  	_ =	shalt  }
0x63: {  	_ =	shalt  }
0x64: {  	_ =	shalt  }
0x65: {  	_ =	shalt  }
0x66: {  	_ =	shalt  }
0x67: {  	_ =	shalt  }
0x68: {  	_ =	shalt  }
0x69: {  	_ =	shalt  }
0x6a: {  	_ =	shalt  }
0x6b: {  	_ =	shalt  }
0x6c: {  	_ =	shalt  }
0x6d: {  	_ =	shalt  }
0x6e: {  	_ =	shalt  }
0x6f: {  	_ =	shalt  }
0x70: {  	_ =	shalt  }
0x71: {  	_ =	shalt  }
0x72: {  	_ =	shalt  }
0x73: {  	_ =	shalt  }
0x74: {  	_ =	shalt  }
0x75: {  	_ =	shalt  }
0x76: {  	_ =	shalt  }
0x77: {  	_ =	shalt  }
0x78: {  	_ =	shalt  }
0x79: {  	_ =	shalt  }
0x7a: {  	_ =	shalt  }
0x7b: {  	_ =	shalt  }
0x7c: {  	_ =	shalt  }
0x7d: {  	_ =	shalt  }
0x7e: {  	_ =	shalt  }
0x7f: {  	_ =	shalt  }
0x80: {  	_ =	shalt  }
0x81: {  	_ =	shalt  }
0x82: {  	_ =	shalt  }
0x83: {  	_ =	shalt  }
0x84: {  	_ =	shalt  }
0x85: {  	_ =	shalt  }
0x86: {  	_ =	shalt  }
0x87: {  	_ =	shalt  }
.Lfunc_end0:
.L_simem_size_0:
called_computation_lowered:
.L_overlay_start_0:
0x88: {  	s2 =	sld [smem:$0x3FD9]  }
0x89: {  	s3 =	sld [smem:$0x3FFE];
	_ =	sdelay $0x1  }
0x8a: {  	s1 =	srdreg.scid  }
0x8b: {  	s0 =	sand.u32 $0x1, s1  }
0x8c: {  	s18 =	sshll.u32 s0, $0xA;
	s2 =	sadd.s32 s3, s2  }
0x8d: {  	s2 =	sadd.s32 s2, s18  }
0x8e: {  	[smem:$0x3FC6] =	sst s2  }
0x8f: {  	_ = 	snop  }
0x90: {  	s2 =	sld [smem:$0x3FC9]  }
0x91: {  	s19 =	sld [smem:$0x3FC8]  }
0x92: {  	s4 =	sld [smem:$0x3FD0];
	(tm) =	ssettm $0x1  }
0x93: {  	s5 =	sld [smem:$0x3FFB];
	_ =	sdelay $0x3  }
0x94: {  	_ =	strace s5  }
0x95: {  	s5 =	sld [smem:$0x3FFC];
	_ =	sdelay $0x3  }
0x96: {  	_ =	strace s5  }
0x97: {  	s5 =	sld [smem:$0x3FFD];
	_ =	sdelay $0x3  }
0x98: {  	_ =	strace s5  }
0x99: {  	_ =	strace $0x8FFFFFFF  }
0x9a: {  	s20 =	sld [smem:$0x3FDB];
	_ =	sdelay $0x1  }
0x9b: {  	s6 =	simm.s32 $_scs_section_size  }
0x9c: {  	s7 =	simm.s32 $_size__tile_overlayer_lowered;
	s8 =	simm.s32 $_tile_overlayer_lowered  }
0x9d: {  	s23 =	simm.s32 $0x1BFF;
	s22 =	sshll.u32 s8, $0x1;
	s5 =	sadd.s32 s6, s20  }
0x9e: {  	s9 =	simm.s32 $0x0;
	s21 =	sshll.u32 s7, $0x1;
	s7 =	sadd.s32 s22, s5  }
0x9f: {  	[timem:s9], [sflag:s23] =	dma.local [hbm:s7], s21  }
0xa0: {  	_ =	swait.ge [sflag:s23], s21  }
0xa1: {  	s6 =	ssub.s32 $0x0, s21;
	[sflag:s23] =	ssyncset.done $0x0  }
0xa2: {  	[sflag:s23] =	ssyncadd.s32 s6;
	_ =	sdelay $0x1  }
0xa3: {  	s24 =	simm.s32 $0x1B8B  }
0xa4: {  	_ =	swait.ge [sflag:s24], $0x1  }
0xa5: {  	[sflag:s24] =	ssyncset.done $0x0  }
0xa6: {  	s25 =	simm.s32 $0x1B8E;
	[sflag:s24] =	ssyncadd.s32 $0xFFFFFFFF  }
0xa7: {  	s26 =	simm.s32 $execute0_lowered;
	[smem:$0x3FD2] =	sst s25  }
0xa8: {  	s6 =	sshll.u32 s26, $0x1;
	_ =	strace $0x80000046;
	[dreg:$0x1] =	wrdreg $0xFFFFFFFF  }
0xa9: {  	s28 =	simm.s32 $_size_execute0_lowered;
	s5 =	sadd.s32 s5, s6;
	[dreg:$0x0] =	wrdreg $0x0  }
0xaa: {  	s6 =	sshll.u32 s28, $0x1;
	[dreg:$0x2] =	wrdreg s5  }
0xab: {  	[dreg:$0x3] =	wrdreg s6  }
0xac: {  	[dreg:$0x4] =	wrdreg $0xC0  }
0xad: {  	_ =	task [dreg:s9], $0x5FFFF  }
0xae: {  	[dreg:$0x1] =	wrdreg $0xFFFFFFFF  }
0xaf: {  	[dreg:$0x0] =	wrdreg $0x60  }
0xb0: {  	[dreg:$0x2] =	wrdreg s2  }
0xb1: {  	[dreg:$0x3] =	wrdreg s19  }
0xb2: {  	[dreg:$0x4] =	wrdreg s4  }
0xb3: {  	[dreg:$0x5] =	wrdreg $0x9  }
0xb4: {  	_ =	task.clear_ibuf [dreg:s9], $0x6FFFF;
	_ =	strace $0x90000046  }
0xb5: {  	s29 =	simm.s32 $0x9;
	_ =	strace $0x80000048  }
0xb6: {  	_ =	swait.ge [sflag:s29], $0x1  }
0xb7: {  	[sflag:s29] =	ssyncadd.s32 $0xFFFFFFFF  }
0xb8: {  	_ =	strace $0x90000048  }
0xb9: {  	_ =	sfence  }
0xba: {  	s30 =	sld [smem:$0x0];
	_ =	sdelay $0x2  }
0xbb: {  	s31 =	sshll.u32 s1, $0xD;
	s1 =	sshrl.u32 s1, $0x2  }
0xbc: {  	s3 =	sand.u32 $0x4000, s31;
	s1 =	sadd.s32 s1, s30  }
0xbd: {  	s0 =	sor.u32 s3, s0;
	s1 =	sshll.u32 s1, $0x11  }
0xbe: {  	s0 =	sor.u32 s1, s0  }
0xbf: {  	s0 =	sadd.s32 $0x8F2B, s0  }
0xc0: {  	[sflag:s0] =	ssyncadd.remote.s32 $0x1  }
0xc1: {  	_ =	sfence.sel $0xFFFF  }
0xc2: {  	[dreg:$0x0] =	wrdreg $0xFFFFFFFF;
	(pc) =	sbr.abs _section_cstart, $3  }
0xc3: {  	[dreg:$0x1] =	wrdreg $0xFFFFFFFF  }
0xc4: {  	_ =	task.clear_ibuf [dreg:s9], $0x2FFFF;
	_ =	strace $0x9FFFFFFF  }
0xc5: {  	(tm) =	ssettm $0x7FFFFFFF  }
tec
execute0_lowered:
.L_overlay_start_1:
0x0: {  	(tag) =	ssettag $0x1  }
0x1: {  	v0 =	vimm.s32 $0xF80;
	vm0 =	vcmask $0x300;
	v1 =	vimm.s32 $0x2780  }
0x2: {  	vm1 =	vcmask $0x704;
	v0 =	vsel vm0, $0x0, v0;
	v1 =	vsel vm0, $0x1800, v1  }
0x3: {  	vm15 =	vcmask $0xB08;
	v0 =	vsel vm1, $0x80, v0;
	v1 =	vsel vm1, $0x1880, v1  }
0x4: {  	vm4 =	vcmask $0xF0C;
	v0 =	vsel vm15, $0x100, v0;
	v1 =	vsel vm15, $0x1900, v1  }
0x5: {  	s0 =	rddreg [dreg:$0x0];
	s3 =	srdreg.scid;
	vm5 =	vcmask $0x1310;
	v0 =	vsel vm4, $0x180, v0;
	v1 =	vsel vm4, $0x1980, v1  }
0x6: {  	s1 =	stileid.u32;
	s2 =	rddreg [dreg:$0x1];
	vm6 =	vcmask $0x1714;
	v0 =	vsel vm5, $0x200, v0;
	v1 =	vsel vm5, $0x1A00, v1  }
0x7: {  	s6 =	rddreg [dreg:$0x2];
	vm7 =	vcmask $0x1B18;
	s4 =	simm.s32 $0x0;
	s16 =	simm.s32 $0x2;
	v0 =	vsel vm6, $0x280, v0;
	v1 =	vsel vm6, $0x1A80, v1  }
0x8: {  	vm8 =	vcmask $0x1F1C;
	s17 =	simm.s32 $0x3000;
	s5 =	sand.u32 $0x1, s3;
	s29 =	sshll.u32 s1, $0x1;
	v0 =	vsel vm7, $0x300, v0;
	v1 =	vsel vm7, $0x1B00, v1  }
0x9: {  	vm9 =	vcmask $0x2320;
	s18 =	simm.s32 $0x1;
	s3 =	rddreg [dreg:$0x3];
	s7 =	sor.u32 s5, s29;
	v0 =	vsel vm8, $0x380, v0;
	v1 =	vsel vm8, $0x1B80, v1  }
0xa: {  	vm10 =	vcmask $0x2724;
	s19 =	simm.s32 $0x0;
	[smem:$0x7FF] =	sst s4;
	s8 =	smul.u32 $0x6000, s7;
	v0 =	vsel vm9, $0xC00, v0;
	v1 =	vsel vm9, $0x2400, v1  }
0xb: {  	vm11 =	vcmask $0x2B28;
	p0 =	sgt.u32 s1, $0x7;
	s9 =	ssub.s32 $0x2, s5;
	s5 =	smul.u32 $0x18, s7;
	v0 =	vsel vm10, $0xC80, v0;
	v1 =	vsel vm10, $0x2480, v1  }
.Ltmp0:
0xc: {  	vm12 =	vcmask $0x2F2C;
	s31 =	sshrl.u32 s9, $0x1;
	s30 =	sshrl.u32 s8, $0x3;
	v0 =	vsel vm11, $0xD00, v0;
	v1 =	vsel vm11, $0x2500, v1;
	(pc) =	sbr.rel .LBB2_1-.Ltmp0, $4  }
0xd: {  	vm13 =	vcmask $0x3330;
	_ =	strace $0x80000047;
	s15 =	ssub.s32 s9, s31;
	s6 =	sadd.s32 s6, s30;
	v0 =	vsel vm12, $0xD80, v0;
	v1 =	vsel vm12, $0x2580, v1  }
0xe: {  	vm14 =	vcmask $0x3734;
	s7 =	sadd.s32 $0xFFFFFE80, s5;
	s15 =	smax.u32 s15, $0x1;
	s8 =	sadd.s32 $0x18000, s6;
	v0 =	vsel vm13, $0xE00, v0;
	v1 =	vsel vm13, $0x2600, v1  }
0xf: {  	vm15 =	vcmask $0x3B38;
	s9 =	sadd.s32 $0x30000, s6;
	s10 =	sadd.s32 $0x48000, s6;
	s11 =	sadd.s32 $0x60000, s6;
	v0 =	vsel vm14, $0xE80, v0;
	v1 =	vsel vm14, $0x2680, v1  }
0x10: {  	s12 =	sadd.s32 $0x78000, s6;
	s13 =	sadd.s32 $0x90000, s6;
	s14 =	sadd.s32 $0xA8000, s6;
	v0 =	vsel vm15, $0xF00, v0;
	v1 =	vsel vm15, $0x2700, v1  }
.LBB2_10:
0x11: {  	[hbm4b:s6+s4] =	stream.linear.scatter [tilespmem:s17], [sflag:$0x1], $0x6000, $0x38;
	[tilespmem:$0x9000] =	vst v63  }
0x12: {  	_ = 	snop  }
0x13: {  	[hbm4b:s8+s4] =	stream.linear.scatter [tilespmem:s17], [sflag:$0x1], $0x6000, $0x38;
	[tilespmem:$0x9000] =	vst v63  }
0x14: {  	_ = 	snop  }
0x15: {  	[hbm4b:s9+s4] =	stream.linear.scatter [tilespmem:s17], [sflag:$0x1], $0x6000, $0x38;
	[tilespmem:$0x9000] =	vst v63  }
0x16: {  	_ = 	snop  }
0x17: {  	[hbm4b:s10+s4] =	stream.linear.scatter [tilespmem:s17], [sflag:$0x1], $0x6000, $0x38;
	[tilespmem:$0x9000] =	vst v63  }
0x18: {  	_ = 	snop  }
0x19: {  	[hbm4b:s11+s4] =	stream.linear.scatter [tilespmem:s17], [sflag:$0x1], $0x6000, $0x38;
	[tilespmem:$0x9000] =	vst v63  }
0x1a: {  	_ = 	snop  }
0x1b: {  	[hbm4b:s12+s4] =	stream.linear.scatter [tilespmem:s17], [sflag:$0x1], $0x6000, $0x38;
	[tilespmem:$0x9000] =	vst v63  }
0x1c: {  	_ = 	snop  }
0x1d: {  	[hbm4b:s13+s4] =	stream.linear.scatter [tilespmem:s17], [sflag:$0x1], $0x6000, $0x38;
	[tilespmem:$0x9000] =	vst v63  }
0x1e: {  	_ = 	snop  }
0x1f: {  	[hbm4b:s14+s4] =	stream.linear.scatter [tilespmem:s17], [sflag:$0x1], $0x6000, $0x38;
	[tilespmem:$0x9000] =	vst v63  }
0x20: {  	_ =	swait.ge [sflag:s18], $0x6000  }
0x21: {  	[sflag:s18] =	ssyncset.done $0x0  }
0x22: {  	[sflag:s18] =	ssyncadd.s32 $0xFFFFA000  }
0x23: {  	_ =	swait.ge [sflag:s18], $0x6000  }
0x24: {  	[sflag:s18] =	ssyncset.done $0x0  }
0x25: {  	[sflag:s18] =	ssyncadd.s32 $0xFFFFA000  }
0x26: {  	_ =	swait.ge [sflag:s18], $0x6000  }
0x27: {  	[sflag:s18] =	ssyncset.done $0x0  }
0x28: {  	[sflag:s18] =	ssyncadd.s32 $0xFFFFA000  }
0x29: {  	_ =	swait.ge [sflag:s18], $0x6000  }
0x2a: {  	[sflag:s18] =	ssyncset.done $0x0  }
0x2b: {  	[sflag:s18] =	ssyncadd.s32 $0xFFFFA000  }
0x2c: {  	_ =	swait.ge [sflag:s18], $0x6000  }
0x2d: {  	[sflag:s18] =	ssyncset.done $0x0  }
0x2e: {  	[sflag:s18] =	ssyncadd.s32 $0xFFFFA000  }
0x2f: {  	_ =	swait.ge [sflag:s18], $0x6000  }
0x30: {  	[sflag:s18] =	ssyncset.done $0x0  }
0x31: {  	s19 =	sadd.s32 $0x1, s19;
	[sflag:s18] =	ssyncadd.s32 $0xFFFFA000  }
0x32: {  	p1 =	sne.s32 s19, s15;
	_ =	swait.ge [sflag:s18], $0x6000  }
.Ltmp1:
0x33: {  	[sflag:s18] =	ssyncset.done $0x0;
	(pc) =	sbr.rel @!p1 .LBB2_11-.Ltmp1, $4  }
0x34: {  	[sflag:s18] =	ssyncadd.s32 $0xFFFFA000  }
0x35: {  	_ =	swait.ge [sflag:s18], $0x6000  }
0x36: {  	[sflag:s18] =	ssyncset.done $0x0  }
0x37: {  	[sflag:s18] =	ssyncadd.s32 $0xFFFFA000  }
.LBB2_1:
.Ltmp2:
0x38: {  	(pc) =	sbr.rel @p0 .LBB2_6-.Ltmp2, $2  }
0x39: {  	_ =	sdelay $0x2  }
0x3a: {  	s20 =	simm.s32 $0x0  }
0x3b: {  	[tilespmem:s20], [sflag:$0x2] =	stream.linear.gather [hbm4b:s2+s20], $0x3000, $0x38;
	[tilespmem:$0x9000] =	vst v63  }
0x3c: {  	_ =	swait.ge [sflag:s16], $0x3000  }
0x3d: {  	[sflag:s16] =	ssyncset.done $0x0  }
0x3e: {  	s21 =	simm.s32 $0x0;
	[sflag:s16] =	ssyncadd.s32 $0xFFFFD000  }
.LBB2_3:
0x3f: {  	s22 =	sadd.s32 s5, s21  }
0x40: {  	v2 =	vmov s22  }
0x41: {  	v3 =	vshll.u32 v2, $0x3  }
0x42: {  	v2 =	vand.u32 $0x7F, v2;
	v3 =	vand.u32 $0x7FFFFC00, v3  }
0x43: {  	v2 =	vor.u32 v2, v3  }
0x44: {  	v3 =	vadd.s32 v0, v2;
	_ =	sdelay $0x1  }
0x45: {  	v4 =	vadd.s32 v1, v2  }
0x46: {  	s29 =	sshll.u32 s21, $0x7  }
0x47: {  	s22 =	sand.u32 $0x380, s29  }
0x48: {  	s23 =	sshll.u32 s21, $0xA;
	v2 =	vmov s22;
	v3 =	vld.idx.msk [tilespmem:v3+s20+$0x0], $0xffff  }
0x49: {  	s30 =	sand.u32 $0x6000, s23  }
0x4a: {  	s31 =	sand.u32 $0x1C00, s20;
	s22 =	sadd.s32 $0x3000, s30;
	v4 =	vld.idx.msk [tilespmem:v4+s20+$0x0], $0xffff  }
0x4b: {  	s24 =	sand.u32 $0x60, s20;
	s23 =	sadd.s32 s31, s22  }
0x4c: {  	s25 =	sadd.s32 s24, s23  }
0x4d: {  	s23 =	simm.s32 $0x20;
	s24 =	simm.s32 $0x0;
	[tilespmem:v2+s25+$0x0 ss:$0x1] =	vst.idx.msk $0xffff, v3  }
.LBB2_4:
0x4e: {  	p1 =	sne.s32 s23, $0x3E0  }
0x4f: {  	[tilespmem:v2+s25+$0x10 ss:$0x1] =	vst.idx.msk $0xffff, v4;
	s24 =	sadd.s32 $0x100, s24;
	s25 =	smov.u32 s23;
	s23 =	sadd.s32 $0x20, s23  }
.Ltmp3:
0x50: {  	(pc) =	sbr.rel @p1 .LBB2_4-.Ltmp3, $4  }
0x51: {  	s26 =	sand.u32 $0x1C00, s24  }
0x52: {  	s25 =	sand.u32 $0x60, s25;
	s26 =	sadd.s32 s26, s22  }
0x53: {  	s25 =	sadd.s32 s25, s26  }
0x54: {  	[tilespmem:v2+s25+$0x0 ss:$0x1] =	vst.idx.msk $0xffff, v3  }
0x55: {  	s21 =	sadd.s32 $0x1, s21  }
0x56: {  	p1 =	seq.s32 s21, $0x18  }
.Ltmp4:
0x57: {  	_ = 	snop;
	(pc) =	sbr.rel @!p1 .LBB2_3-.Ltmp4, $4  }
.Ltmp5:
0x58: {  	_ = 	snop;
	(pc) =	sbr.rel @p1 .LBB2_10-.Ltmp5, $4  }
0x59: {  	_ = 	snop  }
0x5a: {  	_ = 	snop  }
0x5b: {  	[tilespmem:v2+s25+$0x10 ss:$0x1] =	vst.idx.msk $0xffff, v4  }
0x5c: {  	_ = 	snop  }
.LBB2_6:
0x5d: {  	[tilespmem:s20], [sflag:$0x2] =	stream.linear.gather [hbm4b:s0+s20], $0x3000, $0x38;
	[tilespmem:$0x9000] =	vst v63  }
0x5e: {  	_ =	swait.ge [sflag:s16], $0x3000  }
0x5f: {  	[sflag:s16] =	ssyncset.done $0x0  }
0x60: {  	s21 =	simm.s32 $0x0;
	[sflag:s16] =	ssyncadd.s32 $0xFFFFD000  }
.LBB2_7:
0x61: {  	s22 =	sadd.s32 s21, s7;
	v2 =	vmov s20  }
0x62: {  	v3 =	vmov s22;
	v4 =	vshrl.u32 v2, $0x3  }
0x63: {  	v5 =	vshll.u32 v3, $0x3;
	v6 =	vmul.u32 $0xC00, v4  }
0x64: {  	v2 =	vshll.u32 v2, $0x7;
	v4 =	vand.u32 $0xFFFFFC00, v5  }
0x65: {  	v2 =	vand.u32 $0x380, v2;
	v5 =	vadd.s32 v4, v6  }
0x66: {  	v3 =	vand.u32 $0x7F, v3;
	v2 =	vor.u32 v2, v5  }
0x67: {  	s23 =	simm.s32 $0x1;
	v5 =	vor.u32 v3, v2  }
0x68: {  	v6 =	vmov s23  }
0x69: {  	v7 =	vshrl.u32 v6, $0x3  }
0x6a: {  	s28 =	sshll.u32 s21, $0x7;
	v7 =	vmul.u32 $0xC00, v7  }
0x6b: {  	s22 =	sand.u32 $0x380, s28;
	v6 =	vshll.u32 v6, $0x7  }
0x6c: {  	s29 =	sshll.u32 s21, $0xA;
	v2 =	vmov s22;
	v6 =	vand.u32 $0x380, v6;
	v7 =	vadd.s32 v4, v7;
	v5 =	vld.idx.msk [tilespmem:v5+s4+$0x0], $0xffff  }
0x6d: {  	s30 =	sand.u32 $0x6000, s29;
	v6 =	vor.u32 v6, v7  }
0x6e: {  	s31 =	sand.u32 $0x1C00, s20;
	s22 =	sadd.s32 $0x3000, s30;
	v6 =	vor.u32 v3, v6  }
0x6f: {  	s24 =	simm.s32 $0x2;
	s25 =	sand.u32 $0x60, s20;
	s23 =	sadd.s32 s31, s22  }
0x70: {  	s26 =	sadd.s32 s25, s23;
	v7 =	vmov s24  }
0x71: {  	s25 =	simm.s32 $0x3;
	s23 =	simm.s32 $0x0;
	s24 =	simm.s32 $0x0;
	v8 =	vshrl.u32 v7, $0x3;
	[tilespmem:v2+s26+$0x0 ss:$0x1] =	vst.idx.msk $0xffff, v5  }
.LBB2_8:
0x72: {  	p1 =	sne.s32 s25, $0x1F;
	v8 =	vmul.u32 $0xC00, v8;
	[tilespmem:v2+s26+$0x10 ss:$0x1] =	vst.idx.msk $0xffff, v5  }
0x73: {  	v7 =	vshll.u32 v7, $0x7;
	v5 =	vld.idx.msk [tilespmem:v6+s4+$0x0], $0xffff  }
0x74: {  	v7 =	vand.u32 $0x380, v7;
	v6 =	vadd.s32 v4, v8  }
.Ltmp6:
0x75: {  	s24 =	sadd.s32 $0x100, s24;
	v6 =	vor.u32 v7, v6;
	(pc) =	sbr.rel @p1 .LBB2_8-.Ltmp6, $4  }
0x76: {  	s23 =	sadd.s32 $0x20, s23;
	s26 =	sand.u32 $0x1C00, s24;
	v6 =	vor.u32 v3, v6  }
0x77: {  	s28 =	sand.u32 $0x60, s23;
	s26 =	sadd.s32 s26, s22  }
0x78: {  	v7 =	vmov s25;
	s26 =	sadd.s32 s28, s26  }
0x79: {  	s25 =	sadd.s32 $0x1, s25;
	v8 =	vshrl.u32 v7, $0x3;
	[tilespmem:v2+s26+$0x0 ss:$0x1] =	vst.idx.msk $0xffff, v5  }
0x7a: {  	_ =	sdelay $0x2  }
0x7b: {  	v8 =	vmul.u32 $0xC00, v8  }
0x7c: {  	[tilespmem:v2+s26+$0x10 ss:$0x1] =	vst.idx.msk $0xffff, v5;
	v63 =	vshll.u32 v7, $0x7  }
0x7d: {  	v6 =	vld.idx.msk [tilespmem:v6+s4+$0x0], $0xffff;
	v5 =	vand.u32 $0x380, v63;
	v4 =	vadd.s32 v4, v8  }
0x7e: {  	s24 =	sadd.s32 $0x100, s24;
	v4 =	vor.u32 v5, v4  }
0x7f: {  	s23 =	sadd.s32 $0x20, s23;
	s25 =	sand.u32 $0x1C00, s24;
	v3 =	vor.u32 v3, v4  }
0x80: {  	s30 =	sand.u32 $0x60, s23;
	s25 =	sadd.s32 s25, s22  }
0x81: {  	s25 =	sadd.s32 s30, s25  }
0x82: {  	[tilespmem:v2+s25+$0x0 ss:$0x1] =	vst.idx.msk $0xffff, v6  }
0x83: {  	[tilespmem:v2+s25+$0x10 ss:$0x1] =	vst.idx.msk $0xffff, v6  }
0x84: {  	s21 =	sadd.s32 $0x1, s21;
	v3 =	vld.idx.msk [tilespmem:v3+s4+$0x0], $0xffff  }
0x85: {  	s24 =	sadd.s32 $0x100, s24;
	p1 =	sne.s32 s21, $0x18  }
.Ltmp7:
0x86: {  	s23 =	sadd.s32 $0x20, s23;
	s24 =	sand.u32 $0x1C00, s24;
	(pc) =	sbr.rel @p1 .LBB2_7-.Ltmp7, $4  }
.Ltmp8:
0x87: {  	s23 =	sand.u32 $0x60, s23;
	s31 =	sadd.s32 s24, s22;
	(pc) =	sbr.rel @!p1 .LBB2_10-.Ltmp8, $4  }
0x88: {  	s22 =	sadd.s32 s23, s31  }
0x89: {  	[tilespmem:v2+s22+$0x0 ss:$0x1] =	vst.idx.msk $0xffff, v3  }
0x8a: {  	[tilespmem:v2+s22+$0x10 ss:$0x1] =	vst.idx.msk $0xffff, v3  }
0x8b: {  	_ = 	snop  }
.LBB2_11:
0x8c: {  	_ =	sfence.sel $0x180000  }
0x8d: {  	[bflag:$0x0] =	sbarrier.arrive $0xFFFF  }
0x8e: {  	p0 =	sne.s32 s1, $0x0;
	_ =	strace $0x90000047  }
0x8f: {  	s0 =	sadd.s32 @!p0 $0x100000, s3;
	[bflag:$0x2] =	sbarrier.arrive $0xFFFF  }
0x90: {  	[sflag:s0] =	ssyncadd.tile.s32 @!p0 $0x1;
	_ =	shalt  }
.Lfunc_end2:
_tile_overlayer_lowered:
.L_overlay_start_2:
0x91: {  	(tag) =	ssettag $0x2  }
0x92: {  	s0 =	rddreg [dreg:$0x0];
	s2 =	stileid.u32  }
0x93: {  	s1 =	rddreg [dreg:$0x1];
	p0 =	sne.s32 s2, $0x0  }
0x94: {  	s3 =	rddreg [dreg:$0x2];
	[bflag:$0x3] =	sbarrier.arrive $0xFFFF;
	s2 =	simm.s32 @!p0 $0x1C02  }
0x95: {  	[timem:s3], [sflag:s2] =	dma.local @!p0 [hbm:s0], s1  }
0x96: {  	s0 =	simm.s32 @!p0 $0x2  }
0x97: {  	_ =	swait.ge @!p0 [sflag:s0], s1  }
0x98: {  	s1 =	ssub.s32 @!p0 $0x0, s1;
	[sflag:s0] =	ssyncset.done @!p0 $0x0  }
0x99: {  	[sflag:s0] =	ssyncadd.s32 @!p0 s1  }
0x9a: {  	[bflag:$0x3] =	sbarrier.arrive $0xFFFF  }
0x9b: {  	_ =	shalt  }

</sc_bundles>
